<compile_context>
chip_gen: v7x
topology: tpu7x:2x2x1
jax: 0.10.2.dev20260603
libtpu: 0.0.44.dev20260713+nightly
codegen_flags: <defaults>
</compile_context>

<pallas_src>
import functools

import jax
import jax.numpy as jnp
from jax import lax
from jax.experimental import pallas as pl
from jax.experimental.pallas import tpu as pltpu
from jax.experimental.pallas import tpu_sc as plsc

N_ENT = 100000
N_REL = 1000
RANK = 8
DIM = 2 * RANK
BATCH = 1024

_TN = 4096
_GRID = (N_ENT + _TN - 1) // _TN


def _make_sc_gather():
    info = plsc.get_sparse_core_info()
    nc, ns = info.num_cores, info.num_subcores
    nw = nc * ns
    bpw = BATCH // nw
    mesh = plsc.VectorSubcoreMesh(core_axis_name="c", subcore_axis_name="s")

    def body(idx_hbm, ent_hbm, rel_hbm, lhs_out, rel_out,
             li_v, ri_v, lhs_v, rel_v, sem):
        wid = lax.axis_index("s") * nc + lax.axis_index("c")
        base = wid * bpw
        pltpu.sync_copy(idx_hbm.at[0, pl.ds(base, bpw)], li_v)
        pltpu.sync_copy(idx_hbm.at[1, pl.ds(base, bpw)], ri_v)
        pltpu.async_copy(ent_hbm.at[li_v], lhs_v, sem).wait()
        pltpu.async_copy(rel_hbm.at[ri_v], rel_v, sem).wait()
        pltpu.sync_copy(lhs_v, lhs_out.at[pl.ds(base, bpw)])
        pltpu.sync_copy(rel_v, rel_out.at[pl.ds(base, bpw)])

    return pl.kernel(
        body,
        out_type=(jax.ShapeDtypeStruct((BATCH, DIM), jnp.float32),
                  jax.ShapeDtypeStruct((BATCH, DIM), jnp.float32)),
        mesh=mesh,
        scratch_types=[
            pltpu.VMEM((bpw,), jnp.int32),
            pltpu.VMEM((bpw,), jnp.int32),
            pltpu.VMEM((bpw, DIM), jnp.float32),
            pltpu.VMEM((bpw, DIM), jnp.float32),
            pltpu.SemaphoreType.DMA,
        ],
        compiler_params=pltpu.CompilerParams(use_tc_tiling_on_sc=False),
    )


_MB = 32
_MGRID = BATCH // _MB
_NSPLIT = 4
_RS = _MB // _NSPLIT


def _score_body(lhs_ref, rel_ref, entT_ref, out_hbm, obuf, sems):
    i = pl.program_id(0)
    slot = lax.rem(i, 2)

    @pl.when(i >= 2)
    def _wait_prev():
        for k in range(_NSPLIT):
            pltpu.make_async_copy(
                obuf.at[slot, pl.ds(k * _RS, _RS)],
                out_hbm.at[pl.ds((i - 2) * _MB + k * _RS, _RS)],
                sems.at[slot, k]).wait()

    lhs = lhs_ref[...]
    rel = rel_ref[...]
    lr, li = lhs[:, :RANK], lhs[:, RANK:]
    rr, ri = rel[:, :RANK], rel[:, RANK:]
    q = jnp.concatenate([lr * rr - li * ri, lr * ri + li * rr], axis=1)
    obuf[slot] = jnp.dot(q, entT_ref[...], preferred_element_type=jnp.float32)
    for k in range(_NSPLIT):
        pltpu.make_async_copy(
            obuf.at[slot, pl.ds(k * _RS, _RS)],
            out_hbm.at[pl.ds(i * _MB + k * _RS, _RS)],
            sems.at[slot, k]).start()

    @pl.when(i == _MGRID - 1)
    def _drain():
        for step in (_MGRID - 2, _MGRID - 1):
            for k in range(_NSPLIT):
                pltpu.make_async_copy(
                    obuf.at[step % 2, pl.ds(k * _RS, _RS)],
                    out_hbm.at[pl.ds(step * _MB + k * _RS, _RS)],
                    sems.at[step % 2, k]).wait()


@functools.partial(jax.jit, static_argnames=())
def kernel(queries, ent_emb, rel_emb):
    qidx = queries[:, :2].T
    lhs, rel = _make_sc_gather()(qidx, ent_emb, rel_emb)
    scores = pl.pallas_call(
        _score_body,
        grid=(_MGRID,),
        in_specs=[
            pl.BlockSpec((_MB, DIM), lambda i: (i, 0)),
            pl.BlockSpec((_MB, DIM), lambda i: (i, 0)),
            pl.BlockSpec((DIM, N_ENT), lambda i: (0, 0)),
        ],
        out_specs=pl.BlockSpec(memory_space=pl.ANY),
        out_shape=jax.ShapeDtypeStruct((BATCH, N_ENT), jnp.float32),
        scratch_shapes=[
            pltpu.VMEM((2, _MB, N_ENT), jnp.float32),
            pltpu.SemaphoreType.DMA((2, _NSPLIT)),
        ],
        compiler_params=pltpu.CompilerParams(
            dimension_semantics=("arbitrary",)),
    )(lhs, rel, ent_emb.T)
    return scores

# --- scband reference (transcript-rebuilt; emitter-appended) ---
"""Pipeline reference for scband-kbcmodel-39444979646986 (READ-ONLY COPY).

The authoritative reference and input builder live on the scoring server;
editing this copy changes nothing except your own understanding.
"""

import jax, jax.numpy as jnp
import numpy as np

N_ENT = 100000
N_REL = 1000
RANK = 8  # complex rank; embedding dim = 2*RANK
INIT_SIZE = 0.001
BATCH = 1024


def setup_inputs(seed: int = 0) -> dict:
    key = jax.random.key(seed)
    k1, k2, k3 = jax.random.split(key, 3)
    # triples (lhs, rel, rhs); fill_max=1000 keeps all three columns in-range
    queries = jax.random.randint(k1, (BATCH, 3), 0, 1000, dtype=jnp.int32)
    ent_emb = jax.random.normal(k2, (N_ENT, 2 * RANK), dtype=jnp.float32) * INIT_SIZE
    rel_emb = jax.random.normal(k3, (N_REL, 2 * RANK), dtype=jnp.float32) * INIT_SIZE
    return {"queries": queries, "ent_emb": ent_emb, "rel_emb": rel_emb}


def reference(queries, ent_emb, rel_emb):
    # ComplEx-style KBC forward: score every entity as candidate rhs.
    lhs = jnp.take(ent_emb, queries[:, 0], axis=0)   # gather [B, 2r]
    rel = jnp.take(rel_emb, queries[:, 1], axis=0)   # gather [B, 2r]
    lhs_re, lhs_im = lhs[:, :RANK], lhs[:, RANK:]
    rel_re, rel_im = rel[:, :RANK], rel[:, RANK:]
    to_re, to_im = ent_emb[:, :RANK], ent_emb[:, RANK:]
    q_re = lhs_re * rel_re - lhs_im * rel_im
    q_im = lhs_re * rel_im + lhs_im * rel_re
    scores = q_re @ to_re.T + q_im @ to_im.T          # [B, N_ENT]
    return scores

if __name__ == "__main__":
    import jax
    _d = setup_inputs()
    print(jax.jit(kernel)(*tuple(_d.values())))

</pallas_src>

<mosaic_0001>
#map = affine_map<(d0, d1) -> (0, 0)>
module attributes {stable_mosaic.version = 14 : i64} {
  func.func @body(%arg0: i32, %arg1: i32, %arg2: memref<2x1024xi32, #tpu.memory_space<hbm>>, %arg3: memref<100000x16xf32, #tpu.memory_space<hbm>>, %arg4: memref<1000x16xf32, #tpu.memory_space<hbm>>, %arg5: memref<1024x16xf32, #tpu.memory_space<hbm>>, %arg6: memref<1024x16xf32, #tpu.memory_space<hbm>>, %arg7: memref<32xi32, #tpu.memory_space<vmem>>, %arg8: memref<32xi32, #tpu.memory_space<vmem>>, %arg9: memref<32x16xf32, #tpu.memory_space<vmem>>, %arg10: memref<32x16xf32, #tpu.memory_space<vmem>>, %arg11: memref<!tpu.dma_semaphore, #tpu.memory_space<semaphore_mem>>) attributes {dimension_semantics = [#tpu.dimension_semantics<core_parallel>, #tpu.dimension_semantics<subcore_parallel>], iteration_bounds = array<i64: 2, 16>, scalar_prefetch = 0 : i64, scratch_operands = 5 : i64, tpu.core_type = #tpu.core_type<sc_vector_subcore>, window_params = [{transform_indices = #map}, {transform_indices = #map}, {transform_indices = #map}, {transform_indices = #map}, {transform_indices = #map}]} {
    %mul3A = arith.constant 2 : i32
    %mul3A_0 = arith.muli %arg1, %mul3A : i32
    %add3A = arith.addi %mul3A_0, %arg0 : i32
    %mul3A_1 = arith.constant 32 : i32
    %mul3A_2 = arith.muli %add3A, %mul3A_1 : i32
    %run_scoped3A = arith.constant 0 : i32
    "tpu.region"() ({
      %run_scoped3A_14 = tpu.sem_alloc : memref<!tpu.dma_semaphore, #tpu.memory_space<semaphore_mem>>
      %dma_start3A_15 = tpu.memref_slice %arg2[%run_scoped3A, %mul3A_2] : memref<2x1024xi32, #tpu.memory_space<hbm>> -> memref<1x32xi32, #tpu.memory_space<hbm>>
      %dma_start3A_16 = tpu.memref_squeeze %dma_start3A_15 : memref<1x32xi32, #tpu.memory_space<hbm>> -> memref<32xi32, #tpu.memory_space<hbm>>
      %dma_start3A_17 = tpu.memref_slice %arg2[%run_scoped3A, %mul3A_2] : memref<2x1024xi32, #tpu.memory_space<hbm>> -> memref<1x32xi32, #tpu.memory_space<hbm>>
      %dma_start3A_18 = tpu.memref_squeeze %dma_start3A_17 : memref<1x32xi32, #tpu.memory_space<hbm>> -> memref<32xi32, #tpu.memory_space<hbm>>
      tpu.enqueue_dma source(%dma_start3A_18 : memref<32xi32, #tpu.memory_space<hbm>>) target(%arg7 : memref<32xi32, #tpu.memory_space<vmem>>) target_semaphore(%run_scoped3A_14 : memref<!tpu.dma_semaphore, #tpu.memory_space<semaphore_mem>>)
      %dma_wait3A_19 = tpu.memref_slice %arg2[%run_scoped3A, %mul3A_2] : memref<2x1024xi32, #tpu.memory_space<hbm>> -> memref<1x32xi32, #tpu.memory_space<hbm>>
      %dma_wait3A_20 = tpu.memref_squeeze %dma_wait3A_19 : memref<1x32xi32, #tpu.memory_space<hbm>> -> memref<32xi32, #tpu.memory_space<hbm>>
      %dma_wait3A_21 = tpu.memref_slice %arg2[%run_scoped3A, %mul3A_2] : memref<2x1024xi32, #tpu.memory_space<hbm>> -> memref<1x32xi32, #tpu.memory_space<hbm>>
      %dma_wait3A_22 = tpu.memref_squeeze %dma_wait3A_21 : memref<1x32xi32, #tpu.memory_space<hbm>> -> memref<32xi32, #tpu.memory_space<hbm>>
      tpu.wait_dma2 semaphore(%run_scoped3A_14 : memref<!tpu.dma_semaphore, #tpu.memory_space<semaphore_mem>>) src(%dma_wait3A_22 : memref<32xi32, #tpu.memory_space<hbm>>) dst(%arg7 : memref<32xi32, #tpu.memory_space<vmem>>)
      tpu.yield
    }) : () -> ()
    %run_scoped3A_3 = arith.constant 1 : i32
    "tpu.region"() ({
      %run_scoped3A_14 = tpu.sem_alloc : memref<!tpu.dma_semaphore, #tpu.memory_space<semaphore_mem>>
      %dma_start3A_15 = tpu.memref_slice %arg2[%run_scoped3A_3, %mul3A_2] : memref<2x1024xi32, #tpu.memory_space<hbm>> -> memref<1x32xi32, #tpu.memory_space<hbm>>
      %dma_start3A_16 = tpu.memref_squeeze %dma_start3A_15 : memref<1x32xi32, #tpu.memory_space<hbm>> -> memref<32xi32, #tpu.memory_space<hbm>>
      %dma_start3A_17 = tpu.memref_slice %arg2[%run_scoped3A_3, %mul3A_2] : memref<2x1024xi32, #tpu.memory_space<hbm>> -> memref<1x32xi32, #tpu.memory_space<hbm>>
      %dma_start3A_18 = tpu.memref_squeeze %dma_start3A_17 : memref<1x32xi32, #tpu.memory_space<hbm>> -> memref<32xi32, #tpu.memory_space<hbm>>
      tpu.enqueue_dma source(%dma_start3A_18 : memref<32xi32, #tpu.memory_space<hbm>>) target(%arg8 : memref<32xi32, #tpu.memory_space<vmem>>) target_semaphore(%run_scoped3A_14 : memref<!tpu.dma_semaphore, #tpu.memory_space<semaphore_mem>>)
      %dma_wait3A_19 = tpu.memref_slice %arg2[%run_scoped3A_3, %mul3A_2] : memref<2x1024xi32, #tpu.memory_space<hbm>> -> memref<1x32xi32, #tpu.memory_space<hbm>>
      %dma_wait3A_20 = tpu.memref_squeeze %dma_wait3A_19 : memref<1x32xi32, #tpu.memory_space<hbm>> -> memref<32xi32, #tpu.memory_space<hbm>>
      %dma_wait3A_21 = tpu.memref_slice %arg2[%run_scoped3A_3, %mul3A_2] : memref<2x1024xi32, #tpu.memory_space<hbm>> -> memref<1x32xi32, #tpu.memory_space<hbm>>
      %dma_wait3A_22 = tpu.memref_squeeze %dma_wait3A_21 : memref<1x32xi32, #tpu.memory_space<hbm>> -> memref<32xi32, #tpu.memory_space<hbm>>
      tpu.wait_dma2 semaphore(%run_scoped3A_14 : memref<!tpu.dma_semaphore, #tpu.memory_space<semaphore_mem>>) src(%dma_wait3A_22 : memref<32xi32, #tpu.memory_space<hbm>>) dst(%arg8 : memref<32xi32, #tpu.memory_space<vmem>>)
      tpu.yield
    }) : () -> ()
    %dma_start3A = arith.constant 0 : i32
    %dma_start3A_4 = arith.constant 0 : i32
    %dma_start3A_5 = tpu.memref_slice %arg3[%dma_start3A, %dma_start3A_4] : memref<100000x16xf32, #tpu.memory_space<hbm>> -> memref<100000x16xf32, #tpu.memory_space<hbm>>
    tpu.enqueue_indirect_dma source(%dma_start3A_5 : memref<100000x16xf32, #tpu.memory_space<hbm>>) target(%arg9 : memref<32x16xf32, #tpu.memory_space<vmem>>) offsets(%arg7 : memref<32xi32, #tpu.memory_space<vmem>>) semaphore(%arg11 : memref<!tpu.dma_semaphore, #tpu.memory_space<semaphore_mem>>)
    %dma_wait3A = arith.constant 0 : i32
    %dma_wait3A_6 = arith.constant 0 : i32
    %dma_wait3A_7 = tpu.memref_slice %arg3[%dma_wait3A, %dma_wait3A_6] : memref<100000x16xf32, #tpu.memory_space<hbm>> -> memref<100000x16xf32, #tpu.memory_space<hbm>>
    tpu.wait_indirect_dma semaphore(%arg11 : memref<!tpu.dma_semaphore, #tpu.memory_space<semaphore_mem>>) src(%dma_wait3A_7 : memref<100000x16xf32, #tpu.memory_space<hbm>>) dst(%arg9 : memref<32x16xf32, #tpu.memory_space<vmem>>)
    %dma_start3A_8 = arith.constant 0 : i32
    %dma_start3A_9 = arith.constant 0 : i32
    %dma_start3A_10 = tpu.memref_slice %arg4[%dma_start3A_8, %dma_start3A_9] : memref<1000x16xf32, #tpu.memory_space<hbm>> -> memref<1000x16xf32, #tpu.memory_space<hbm>>
    tpu.enqueue_indirect_dma source(%dma_start3A_10 : memref<1000x16xf32, #tpu.memory_space<hbm>>) target(%arg10 : memref<32x16xf32, #tpu.memory_space<vmem>>) offsets(%arg8 : memref<32xi32, #tpu.memory_space<vmem>>) semaphore(%arg11 : memref<!tpu.dma_semaphore, #tpu.memory_space<semaphore_mem>>)
    %dma_wait3A_11 = arith.constant 0 : i32
    %dma_wait3A_12 = arith.constant 0 : i32
    %dma_wait3A_13 = tpu.memref_slice %arg4[%dma_wait3A_11, %dma_wait3A_12] : memref<1000x16xf32, #tpu.memory_space<hbm>> -> memref<1000x16xf32, #tpu.memory_space<hbm>>
    tpu.wait_indirect_dma semaphore(%arg11 : memref<!tpu.dma_semaphore, #tpu.memory_space<semaphore_mem>>) src(%dma_wait3A_13 : memref<1000x16xf32, #tpu.memory_space<hbm>>) dst(%arg10 : memref<32x16xf32, #tpu.memory_space<vmem>>)
    "tpu.region"() ({
      %run_scoped3A_14 = tpu.sem_alloc : memref<!tpu.dma_semaphore, #tpu.memory_space<semaphore_mem>>
      %dma_start3A_15 = arith.constant 0 : i32
      %dma_start3A_16 = tpu.memref_slice %arg5[%mul3A_2, %dma_start3A_15] : memref<1024x16xf32, #tpu.memory_space<hbm>> -> memref<32x16xf32, #tpu.memory_space<hbm>>
      %dma_start3A_17 = arith.constant 0 : i32
      %dma_start3A_18 = tpu.memref_slice %arg5[%mul3A_2, %dma_start3A_17] : memref<1024x16xf32, #tpu.memory_space<hbm>> -> memref<32x16xf32, #tpu.memory_space<hbm>>
      tpu.enqueue_dma source(%arg9 : memref<32x16xf32, #tpu.memory_space<vmem>>) target(%dma_start3A_18 : memref<32x16xf32, #tpu.memory_space<hbm>>) target_semaphore(%run_scoped3A_14 : memref<!tpu.dma_semaphore, #tpu.memory_space<semaphore_mem>>)
      %dma_wait3A_19 = arith.constant 0 : i32
      %dma_wait3A_20 = tpu.memref_slice %arg5[%mul3A_2, %dma_wait3A_19] : memref<1024x16xf32, #tpu.memory_space<hbm>> -> memref<32x16xf32, #tpu.memory_space<hbm>>
      %dma_wait3A_21 = arith.constant 0 : i32
      %dma_wait3A_22 = tpu.memref_slice %arg5[%mul3A_2, %dma_wait3A_21] : memref<1024x16xf32, #tpu.memory_space<hbm>> -> memref<32x16xf32, #tpu.memory_space<hbm>>
      tpu.wait_dma2 semaphore(%run_scoped3A_14 : memref<!tpu.dma_semaphore, #tpu.memory_space<semaphore_mem>>) src(%arg9 : memref<32x16xf32, #tpu.memory_space<vmem>>) dst(%dma_wait3A_22 : memref<32x16xf32, #tpu.memory_space<hbm>>)
      tpu.yield
    }) : () -> ()
    "tpu.region"() ({
      %run_scoped3A_14 = tpu.sem_alloc : memref<!tpu.dma_semaphore, #tpu.memory_space<semaphore_mem>>
      %dma_start3A_15 = arith.constant 0 : i32
      %dma_start3A_16 = tpu.memref_slice %arg6[%mul3A_2, %dma_start3A_15] : memref<1024x16xf32, #tpu.memory_space<hbm>> -> memref<32x16xf32, #tpu.memory_space<hbm>>
      %dma_start3A_17 = arith.constant 0 : i32
      %dma_start3A_18 = tpu.memref_slice %arg6[%mul3A_2, %dma_start3A_17] : memref<1024x16xf32, #tpu.memory_space<hbm>> -> memref<32x16xf32, #tpu.memory_space<hbm>>
      tpu.enqueue_dma source(%arg10 : memref<32x16xf32, #tpu.memory_space<vmem>>) target(%dma_start3A_18 : memref<32x16xf32, #tpu.memory_space<hbm>>) target_semaphore(%run_scoped3A_14 : memref<!tpu.dma_semaphore, #tpu.memory_space<semaphore_mem>>)
      %dma_wait3A_19 = arith.constant 0 : i32
      %dma_wait3A_20 = tpu.memref_slice %arg6[%mul3A_2, %dma_wait3A_19] : memref<1024x16xf32, #tpu.memory_space<hbm>> -> memref<32x16xf32, #tpu.memory_space<hbm>>
      %dma_wait3A_21 = arith.constant 0 : i32
      %dma_wait3A_22 = tpu.memref_slice %arg6[%mul3A_2, %dma_wait3A_21] : memref<1024x16xf32, #tpu.memory_space<hbm>> -> memref<32x16xf32, #tpu.memory_space<hbm>>
      tpu.wait_dma2 semaphore(%run_scoped3A_14 : memref<!tpu.dma_semaphore, #tpu.memory_space<semaphore_mem>>) src(%arg10 : memref<32x16xf32, #tpu.memory_space<vmem>>) dst(%dma_wait3A_22 : memref<32x16xf32, #tpu.memory_space<hbm>>)
      tpu.yield
    }) : () -> ()
    return
  }
}

module attributes {stable_mosaic.version = 14 : i64} {
  func.func @_score_body(%arg0: i32, %arg1: memref<32x16xf32, #tpu.memory_space<vmem>>, %arg2: memref<32x16xf32, #tpu.memory_space<vmem>>, %arg3: memref<16x100000xf32, #tpu.memory_space<vmem>>, %arg4: memref<1024x100000xf32, #tpu.memory_space<any>>, %arg5: memref<2x32x100000xf32, #tpu.memory_space<vmem>>, %arg6: memref<2x4x!tpu.dma_semaphore, #tpu.memory_space<semaphore_mem>>) attributes {dimension_semantics = [#tpu.dimension_semantics<arbitrary>], iteration_bounds = array<i64: 32>, scalar_prefetch = 0 : i64, scratch_operands = 2 : i64, tpu.core_type = #tpu.core_type<tc>, window_params = [{transform_indices = @transform_0, window_bounds = array<i64: 32, 16>}, {transform_indices = @transform_1, window_bounds = array<i64: 32, 16>}, {pipeline_mode = #tpu.pipeline_mode<synchronous>, transform_indices = @transform_2, window_bounds = array<i64: 16, 100000>}, {}]} {
    %rem3A = arith.constant 2 : i32
    %rem3A_0 = arith.remsi %arg0, %rem3A : i32
    %ge3A = arith.constant 2 : i32
    %ge3A_1 = arith.cmpi sge, %arg0, %ge3A : i32
    %convert_element_type3A = arith.extui %ge3A_1 : i1 to i32
    %cond3A = arith.constant 0 : i32
    %cond3A_2 = arith.cmpi ne, %convert_element_type3A, %cond3A : i32
    scf.if %cond3A_2 {
      %sub3A_78 = arith.constant 2 : i32
      %sub3A_79 = arith.subi %arg0, %sub3A_78 : i32
      %mul3A_80 = arith.constant 32 : i32
      %mul3A_81 = arith.muli %sub3A_79, %mul3A_80 : i32
      %add3A_82 = arith.constant 0 : i32
      %add3A_83 = arith.addi %mul3A_81, %add3A_82 : i32
      %dma_wait3A = arith.constant 0 : i32
      %dma_wait3A_84 = tpu.memref_slice %arg6[%rem3A_0, %dma_wait3A] : memref<2x4x!tpu.dma_semaphore, #tpu.memory_space<semaphore_mem>> -> memref<1x1x!tpu.dma_semaphore, #tpu.memory_space<semaphore_mem>>
      %dma_wait3A_85 = tpu.memref_squeeze %dma_wait3A_84 : memref<1x1x!tpu.dma_semaphore, #tpu.memory_space<semaphore_mem>> -> memref<!tpu.dma_semaphore, #tpu.memory_space<semaphore_mem>>
      %dma_wait3A_86 = arith.constant 0 : i32
      %dma_wait3A_87 = tpu.memref_slice %arg4[%add3A_83, %dma_wait3A_86] : memref<1024x100000xf32, #tpu.memory_space<any>> -> memref<8x100000xf32, #tpu.memory_space<any>>
      %dma_wait3A_88 = arith.constant 0 : i32
      %dma_wait3A_89 = arith.constant 0 : i32
      %dma_wait3A_90 = tpu.memref_slice %arg5[%rem3A_0, %dma_wait3A_88, %dma_wait3A_89] : memref<2x32x100000xf32, #tpu.memory_space<vmem>> -> memref<1x8x100000xf32, #tpu.memory_space<vmem>>
      %dma_wait3A_91 = tpu.memref_squeeze %dma_wait3A_90 : memref<1x8x100000xf32, #tpu.memory_space<vmem>> -> memref<8x100000xf32, #tpu.memory_space<vmem>>
      tpu.wait_dma2 semaphore(%dma_wait3A_85 : memref<!tpu.dma_semaphore, #tpu.memory_space<semaphore_mem>>) src(%dma_wait3A_91 : memref<8x100000xf32, #tpu.memory_space<vmem>>) dst(%dma_wait3A_87 : memref<8x100000xf32, #tpu.memory_space<any>>)
      %sub3A_92 = arith.constant 2 : i32
      %sub3A_93 = arith.subi %arg0, %sub3A_92 : i32
      %mul3A_94 = arith.constant 32 : i32
      %mul3A_95 = arith.muli %sub3A_93, %mul3A_94 : i32
      %add3A_96 = arith.constant 8 : i32
      %add3A_97 = arith.addi %mul3A_95, %add3A_96 : i32
      %dma_wait3A_98 = arith.constant 1 : i32
      %dma_wait3A_99 = tpu.memref_slice %arg6[%rem3A_0, %dma_wait3A_98] : memref<2x4x!tpu.dma_semaphore, #tpu.memory_space<semaphore_mem>> -> memref<1x1x!tpu.dma_semaphore, #tpu.memory_space<semaphore_mem>>
      %dma_wait3A_100 = tpu.memref_squeeze %dma_wait3A_99 : memref<1x1x!tpu.dma_semaphore, #tpu.memory_space<semaphore_mem>> -> memref<!tpu.dma_semaphore, #tpu.memory_space<semaphore_mem>>
      %dma_wait3A_101 = arith.constant 0 : i32
      %dma_wait3A_102 = tpu.memref_slice %arg4[%add3A_97, %dma_wait3A_101] : memref<1024x100000xf32, #tpu.memory_space<any>> -> memref<8x100000xf32, #tpu.memory_space<any>>
      %dma_wait3A_103 = arith.constant 8 : i32
      %dma_wait3A_104 = arith.constant 0 : i32
      %dma_wait3A_105 = tpu.memref_slice %arg5[%rem3A_0, %dma_wait3A_103, %dma_wait3A_104] : memref<2x32x100000xf32, #tpu.memory_space<vmem>> -> memref<1x8x100000xf32, #tpu.memory_space<vmem>>
      %dma_wait3A_106 = tpu.memref_squeeze %dma_wait3A_105 : memref<1x8x100000xf32, #tpu.memory_space<vmem>> -> memref<8x100000xf32, #tpu.memory_space<vmem>>
      tpu.wait_dma2 semaphore(%dma_wait3A_100 : memref<!tpu.dma_semaphore, #tpu.memory_space<semaphore_mem>>) src(%dma_wait3A_106 : memref<8x100000xf32, #tpu.memory_space<vmem>>) dst(%dma_wait3A_102 : memref<8x100000xf32, #tpu.memory_space<any>>)
      %sub3A_107 = arith.constant 2 : i32
      %sub3A_108 = arith.subi %arg0, %sub3A_107 : i32
      %mul3A_109 = arith.constant 32 : i32
      %mul3A_110 = arith.muli %sub3A_108, %mul3A_109 : i32
      %add3A_111 = arith.constant 16 : i32
      %add3A_112 = arith.addi %mul3A_110, %add3A_111 : i32
      %dma_wait3A_113 = arith.constant 2 : i32
      %dma_wait3A_114 = tpu.memref_slice %arg6[%rem3A_0, %dma_wait3A_113] : memref<2x4x!tpu.dma_semaphore, #tpu.memory_space<semaphore_mem>> -> memref<1x1x!tpu.dma_semaphore, #tpu.memory_space<semaphore_mem>>
      %dma_wait3A_115 = tpu.memref_squeeze %dma_wait3A_114 : memref<1x1x!tpu.dma_semaphore, #tpu.memory_space<semaphore_mem>> -> memref<!tpu.dma_semaphore, #tpu.memory_space<semaphore_mem>>
      %dma_wait3A_116 = arith.constant 0 : i32
      %dma_wait3A_117 = tpu.memref_slice %arg4[%add3A_112, %dma_wait3A_116] : memref<1024x100000xf32, #tpu.memory_space<any>> -> memref<8x100000xf32, #tpu.memory_space<any>>
      %dma_wait3A_118 = arith.constant 16 : i32
      %dma_wait3A_119 = arith.constant 0 : i32
      %dma_wait3A_120 = tpu.memref_slice %arg5[%rem3A_0, %dma_wait3A_118, %dma_wait3A_119] : memref<2x32x100000xf32, #tpu.memory_space<vmem>> -> memref<1x8x100000xf32, #tpu.memory_space<vmem>>
      %dma_wait3A_121 = tpu.memref_squeeze %dma_wait3A_120 : memref<1x8x100000xf32, #tpu.memory_space<vmem>> -> memref<8x100000xf32, #tpu.memory_space<vmem>>
      tpu.wait_dma2 semaphore(%dma_wait3A_115 : memref<!tpu.dma_semaphore, #tpu.memory_space<semaphore_mem>>) src(%dma_wait3A_121 : memref<8x100000xf32, #tpu.memory_space<vmem>>) dst(%dma_wait3A_117 : memref<8x100000xf32, #tpu.memory_space<any>>)
      %sub3A_122 = arith.constant 2 : i32
      %sub3A_123 = arith.subi %arg0, %sub3A_122 : i32
      %mul3A_124 = arith.constant 32 : i32
      %mul3A_125 = arith.muli %sub3A_123, %mul3A_124 : i32
      %add3A_126 = arith.constant 24 : i32
      %add3A_127 = arith.addi %mul3A_125, %add3A_126 : i32
      %dma_wait3A_128 = arith.constant 3 : i32
      %dma_wait3A_129 = tpu.memref_slice %arg6[%rem3A_0, %dma_wait3A_128] : memref<2x4x!tpu.dma_semaphore, #tpu.memory_space<semaphore_mem>> -> memref<1x1x!tpu.dma_semaphore, #tpu.memory_space<semaphore_mem>>
      %dma_wait3A_130 = tpu.memref_squeeze %dma_wait3A_129 : memref<1x1x!tpu.dma_semaphore, #tpu.memory_space<semaphore_mem>> -> memref<!tpu.dma_semaphore, #tpu.memory_space<semaphore_mem>>
      %dma_wait3A_131 = arith.constant 0 : i32
      %dma_wait3A_132 = tpu.memref_slice %arg4[%add3A_127, %dma_wait3A_131] : memref<1024x100000xf32, #tpu.memory_space<any>> -> memref<8x100000xf32, #tpu.memory_space<any>>
      %dma_wait3A_133 = arith.constant 24 : i32
      %dma_wait3A_134 = arith.constant 0 : i32
      %dma_wait3A_135 = tpu.memref_slice %arg5[%rem3A_0, %dma_wait3A_133, %dma_wait3A_134] : memref<2x32x100000xf32, #tpu.memory_space<vmem>> -> memref<1x8x100000xf32, #tpu.memory_space<vmem>>
      %dma_wait3A_136 = tpu.memref_squeeze %dma_wait3A_135 : memref<1x8x100000xf32, #tpu.memory_space<vmem>> -> memref<8x100000xf32, #tpu.memory_space<vmem>>
      tpu.wait_dma2 semaphore(%dma_wait3A_130 : memref<!tpu.dma_semaphore, #tpu.memory_space<semaphore_mem>>) src(%dma_wait3A_136 : memref<8x100000xf32, #tpu.memory_space<vmem>>) dst(%dma_wait3A_132 : memref<8x100000xf32, #tpu.memory_space<any>>)
    } else {
    }
    %get3A = arith.constant 0 : index
    %get3A_3 = arith.constant 0 : index
    %get3A_4 = vector.load %arg1[%get3A, %get3A_3] : memref<32x16xf32, #tpu.memory_space<vmem>>, vector<32x16xf32>
    %get3A_5 = arith.constant 0 : index
    %get3A_6 = arith.constant 0 : index
    %get3A_7 = vector.load %arg2[%get3A_5, %get3A_6] : memref<32x16xf32, #tpu.memory_space<vmem>>, vector<32x16xf32>
    %slice3A = vector.extract_strided_slice %get3A_4 {offsets = [0, 0], sizes = [32, 8], strides = [1, 1]} : vector<32x16xf32> to vector<32x8xf32>
    %slice3A_8 = vector.extract_strided_slice %get3A_4 {offsets = [0, 8], sizes = [32, 8], strides = [1, 1]} : vector<32x16xf32> to vector<32x8xf32>
    %slice3A_9 = vector.extract_strided_slice %get3A_7 {offsets = [0, 0], sizes = [32, 8], strides = [1, 1]} : vector<32x16xf32> to vector<32x8xf32>
    %slice3A_10 = vector.extract_strided_slice %get3A_7 {offsets = [0, 8], sizes = [32, 8], strides = [1, 1]} : vector<32x16xf32> to vector<32x8xf32>
    %mul3A = arith.mulf %slice3A, %slice3A_9 : vector<32x8xf32>
    %mul3A_11 = arith.mulf %slice3A_8, %slice3A_10 : vector<32x8xf32>
    %sub3A = arith.subf %mul3A, %mul3A_11 : vector<32x8xf32>
    %mul3A_12 = arith.mulf %slice3A, %slice3A_10 : vector<32x8xf32>
    %mul3A_13 = arith.mulf %slice3A_8, %slice3A_9 : vector<32x8xf32>
    %add3A = arith.addf %mul3A_12, %mul3A_13 : vector<32x8xf32>
    %concatenate3A = tpu.concatenate %sub3A, %add3A in 1 : vector<32x8xf32>, vector<32x8xf32> -> vector<32x16xf32>
    %get3A_14 = arith.constant 0 : index
    %get3A_15 = arith.constant 0 : index
    %get3A_16 = vector.load %arg3[%get3A_14, %get3A_15] : memref<16x100000xf32, #tpu.memory_space<vmem>>, vector<16x100000xf32>
    %dot_general3A = arith.constant dense<0.000000e+00> : vector<32x100000xf32>
    %dot_general3A_17 = tpu.matmul %concatenate3A, %get3A_16, %dot_general3A {dimension_numbers = #tpu.dot_dimension_numbers<[1], [0], [0], [1], [0, 0, 1, 1], [], []>, transpose_lhs_hint = false} : vector<32x16xf32>, vector<16x100000xf32>, vector<32x100000xf32> -> vector<32x100000xf32>
    %swap3A = arith.index_cast %rem3A_0 : i32 to index
    %swap3A_18 = arith.constant 0 : index
    %swap3A_19 = arith.constant 0 : index
    %swap3A_20 = vector.load %arg5[%swap3A, %swap3A_18, %swap3A_19] : memref<2x32x100000xf32, #tpu.memory_space<vmem>>, vector<1x32x100000xf32>
    %swap3A_21 = vector.shape_cast %swap3A_20 : vector<1x32x100000xf32> to vector<32x100000xf32>
    %swap3A_22 = vector.shape_cast %dot_general3A_17 : vector<32x100000xf32> to vector<1x32x100000xf32>
    tpu.vector_store %arg5[%swap3A, %swap3A_18, %swap3A_19], %swap3A_22 {strides = array<i32>} : memref<2x32x100000xf32, #tpu.memory_space<vmem>>, vector<1x32x100000xf32>,
    %mul3A_23 = arith.constant 32 : i32
    %mul3A_24 = arith.muli %arg0, %mul3A_23 : i32
    %add3A_25 = arith.constant 0 : i32
    %add3A_26 = arith.addi %mul3A_24, %add3A_25 : i32
    %dma_start3A = arith.constant 0 : i32
    %dma_start3A_27 = tpu.memref_slice %arg6[%rem3A_0, %dma_start3A] : memref<2x4x!tpu.dma_semaphore, #tpu.memory_space<semaphore_mem>> -> memref<1x1x!tpu.dma_semaphore, #tpu.memory_space<semaphore_mem>>
    %dma_start3A_28 = tpu.memref_squeeze %dma_start3A_27 : memref<1x1x!tpu.dma_semaphore, #tpu.memory_space<semaphore_mem>> -> memref<!tpu.dma_semaphore, #tpu.memory_space<semaphore_mem>>
    %dma_start3A_29 = arith.constant 0 : i32
    %dma_start3A_30 = tpu.memref_slice %arg4[%add3A_26, %dma_start3A_29] : memref<1024x100000xf32, #tpu.memory_space<any>> -> memref<8x100000xf32, #tpu.memory_space<any>>
    %dma_start3A_31 = arith.constant 0 : i32
    %dma_start3A_32 = arith.constant 0 : i32
    %dma_start3A_33 = tpu.memref_slice %arg5[%rem3A_0, %dma_start3A_31, %dma_start3A_32] : memref<2x32x100000xf32, #tpu.memory_space<vmem>> -> memref<1x8x100000xf32, #tpu.memory_space<vmem>>
    %dma_start3A_34 = tpu.memref_squeeze %dma_start3A_33 : memref<1x8x100000xf32, #tpu.memory_space<vmem>> -> memref<8x100000xf32, #tpu.memory_space<vmem>>
    tpu.enqueue_dma source(%dma_start3A_34 : memref<8x100000xf32, #tpu.memory_space<vmem>>) target(%dma_start3A_30 : memref<8x100000xf32, #tpu.memory_space<any>>) target_semaphore(%dma_start3A_28 : memref<!tpu.dma_semaphore, #tpu.memory_space<semaphore_mem>>)
    %mul3A_35 = arith.constant 32 : i32
    %mul3A_36 = arith.muli %arg0, %mul3A_35 : i32
    %add3A_37 = arith.constant 8 : i32
    %add3A_38 = arith.addi %mul3A_36, %add3A_37 : i32
    %dma_start3A_39 = arith.constant 1 : i32
    %dma_start3A_40 = tpu.memref_slice %arg6[%rem3A_0, %dma_start3A_39] : memref<2x4x!tpu.dma_semaphore, #tpu.memory_space<semaphore_mem>> -> memref<1x1x!tpu.dma_semaphore, #tpu.memory_space<semaphore_mem>>
    %dma_start3A_41 = tpu.memref_squeeze %dma_start3A_40 : memref<1x1x!tpu.dma_semaphore, #tpu.memory_space<semaphore_mem>> -> memref<!tpu.dma_semaphore, #tpu.memory_space<semaphore_mem>>
    %dma_start3A_42 = arith.constant 0 : i32
    %dma_start3A_43 = tpu.memref_slice %arg4[%add3A_38, %dma_start3A_42] : memref<1024x100000xf32, #tpu.memory_space<any>> -> memref<8x100000xf32, #tpu.memory_space<any>>
    %dma_start3A_44 = arith.constant 8 : i32
    %dma_start3A_45 = arith.constant 0 : i32
    %dma_start3A_46 = tpu.memref_slice %arg5[%rem3A_0, %dma_start3A_44, %dma_start3A_45] : memref<2x32x100000xf32, #tpu.memory_space<vmem>> -> memref<1x8x100000xf32, #tpu.memory_space<vmem>>
    %dma_start3A_47 = tpu.memref_squeeze %dma_start3A_46 : memref<1x8x100000xf32, #tpu.memory_space<vmem>> -> memref<8x100000xf32, #tpu.memory_space<vmem>>
    tpu.enqueue_dma source(%dma_start3A_47 : memref<8x100000xf32, #tpu.memory_space<vmem>>) target(%dma_start3A_43 : memref<8x100000xf32, #tpu.memory_space<any>>) target_semaphore(%dma_start3A_41 : memref<!tpu.dma_semaphore, #tpu.memory_space<semaphore_mem>>)
    %mul3A_48 = arith.constant 32 : i32
    %mul3A_49 = arith.muli %arg0, %mul3A_48 : i32
    %add3A_50 = arith.constant 16 : i32
    %add3A_51 = arith.addi %mul3A_49, %add3A_50 : i32
    %dma_start3A_52 = arith.constant 2 : i32
    %dma_start3A_53 = tpu.memref_slice %arg6[%rem3A_0, %dma_start3A_52] : memref<2x4x!tpu.dma_semaphore, #tpu.memory_space<semaphore_mem>> -> memref<1x1x!tpu.dma_semaphore, #tpu.memory_space<semaphore_mem>>
    %dma_start3A_54 = tpu.memref_squeeze %dma_start3A_53 : memref<1x1x!tpu.dma_semaphore, #tpu.memory_space<semaphore_mem>> -> memref<!tpu.dma_semaphore, #tpu.memory_space<semaphore_mem>>
    %dma_start3A_55 = arith.constant 0 : i32
    %dma_start3A_56 = tpu.memref_slice %arg4[%add3A_51, %dma_start3A_55] : memref<1024x100000xf32, #tpu.memory_space<any>> -> memref<8x100000xf32, #tpu.memory_space<any>>
    %dma_start3A_57 = arith.constant 16 : i32
    %dma_start3A_58 = arith.constant 0 : i32
    %dma_start3A_59 = tpu.memref_slice %arg5[%rem3A_0, %dma_start3A_57, %dma_start3A_58] : memref<2x32x100000xf32, #tpu.memory_space<vmem>> -> memref<1x8x100000xf32, #tpu.memory_space<vmem>>
    %dma_start3A_60 = tpu.memref_squeeze %dma_start3A_59 : memref<1x8x100000xf32, #tpu.memory_space<vmem>> -> memref<8x100000xf32, #tpu.memory_space<vmem>>
    tpu.enqueue_dma source(%dma_start3A_60 : memref<8x100000xf32, #tpu.memory_space<vmem>>) target(%dma_start3A_56 : memref<8x100000xf32, #tpu.memory_space<any>>) target_semaphore(%dma_start3A_54 : memref<!tpu.dma_semaphore, #tpu.memory_space<semaphore_mem>>)
    %mul3A_61 = arith.constant 32 : i32
    %mul3A_62 = arith.muli %arg0, %mul3A_61 : i32
    %add3A_63 = arith.constant 24 : i32
    %add3A_64 = arith.addi %mul3A_62, %add3A_63 : i32
    %dma_start3A_65 = arith.constant 3 : i32
    %dma_start3A_66 = tpu.memref_slice %arg6[%rem3A_0, %dma_start3A_65] : memref<2x4x!tpu.dma_semaphore, #tpu.memory_space<semaphore_mem>> -> memref<1x1x!tpu.dma_semaphore, #tpu.memory_space<semaphore_mem>>
    %dma_start3A_67 = tpu.memref_squeeze %dma_start3A_66 : memref<1x1x!tpu.dma_semaphore, #tpu.memory_space<semaphore_mem>> -> memref<!tpu.dma_semaphore, #tpu.memory_space<semaphore_mem>>
    %dma_start3A_68 = arith.constant 0 : i32
    %dma_start3A_69 = tpu.memref_slice %arg4[%add3A_64, %dma_start3A_68] : memref<1024x100000xf32, #tpu.memory_space<any>> -> memref<8x100000xf32, #tpu.memory_space<any>>
    %dma_start3A_70 = arith.constant 24 : i32
    %dma_start3A_71 = arith.constant 0 : i32
    %dma_start3A_72 = tpu.memref_slice %arg5[%rem3A_0, %dma_start3A_70, %dma_start3A_71] : memref<2x32x100000xf32, #tpu.memory_space<vmem>> -> memref<1x8x100000xf32, #tpu.memory_space<vmem>>
    %dma_start3A_73 = tpu.memref_squeeze %dma_start3A_72 : memref<1x8x100000xf32, #tpu.memory_space<vmem>> -> memref<8x100000xf32, #tpu.memory_space<vmem>>
    tpu.enqueue_dma source(%dma_start3A_73 : memref<8x100000xf32, #tpu.memory_space<vmem>>) target(%dma_start3A_69 : memref<8x100000xf32, #tpu.memory_space<any>>) target_semaphore(%dma_start3A_67 : memref<!tpu.dma_semaphore, #tpu.memory_space<semaphore_mem>>)
    %eq3A = arith.constant 31 : i32
    %eq3A_74 = arith.cmpi eq, %arg0, %eq3A : i32
    %convert_element_type3A_75 = arith.extui %eq3A_74 : i1 to i32
    %cond3A_76 = arith.constant 0 : i32
    %cond3A_77 = arith.cmpi ne, %convert_element_type3A_75, %cond3A_76 : i32
    scf.if %cond3A_77 {
      %dma_wait3A = arith.constant 0 : i32
      %dma_wait3A_78 = arith.constant 0 : i32
      %dma_wait3A_79 = arith.constant 0 : i32
      %dma_wait3A_80 = tpu.memref_slice %arg6[%dma_wait3A_78, %dma_wait3A_79] : memref<2x4x!tpu.dma_semaphore, #tpu.memory_space<semaphore_mem>> -> memref<1x1x!tpu.dma_semaphore, #tpu.memory_space<semaphore_mem>>
      %dma_wait3A_81 = tpu.memref_squeeze %dma_wait3A_80 : memref<1x1x!tpu.dma_semaphore, #tpu.memory_space<semaphore_mem>> -> memref<!tpu.dma_semaphore, #tpu.memory_space<semaphore_mem>>
      %dma_wait3A_82 = arith.constant 960 : i32
      %dma_wait3A_83 = arith.constant 0 : i32
      %dma_wait3A_84 = tpu.memref_slice %arg4[%dma_wait3A_82, %dma_wait3A_83] : memref<1024x100000xf32, #tpu.memory_space<any>> -> memref<8x100000xf32, #tpu.memory_space<any>>
      %dma_wait3A_85 = arith.constant 0 : i32
      %dma_wait3A_86 = arith.constant 0 : i32
      %dma_wait3A_87 = tpu.memref_slice %arg5[%dma_wait3A, %dma_wait3A_85, %dma_wait3A_86] : memref<2x32x100000xf32, #tpu.memory_space<vmem>> -> memref<1x8x100000xf32, #tpu.memory_space<vmem>>
      %dma_wait3A_88 = tpu.memref_squeeze %dma_wait3A_87 : memref<1x8x100000xf32, #tpu.memory_space<vmem>> -> memref<8x100000xf32, #tpu.memory_space<vmem>>
      tpu.wait_dma2 semaphore(%dma_wait3A_81 : memref<!tpu.dma_semaphore, #tpu.memory_space<semaphore_mem>>) src(%dma_wait3A_88 : memref<8x100000xf32, #tpu.memory_space<vmem>>) dst(%dma_wait3A_84 : memref<8x100000xf32, #tpu.memory_space<any>>)
      %dma_wait3A_89 = arith.constant 0 : i32
      %dma_wait3A_90 = arith.constant 0 : i32
      %dma_wait3A_91 = arith.constant 1 : i32
      %dma_wait3A_92 = tpu.memref_slice %arg6[%dma_wait3A_90, %dma_wait3A_91] : memref<2x4x!tpu.dma_semaphore, #tpu.memory_space<semaphore_mem>> -> memref<1x1x!tpu.dma_semaphore, #tpu.memory_space<semaphore_mem>>
      %dma_wait3A_93 = tpu.memref_squeeze %dma_wait3A_92 : memref<1x1x!tpu.dma_semaphore, #tpu.memory_space<semaphore_mem>> -> memref<!tpu.dma_semaphore, #tpu.memory_space<semaphore_mem>>
      %dma_wait3A_94 = arith.constant 968 : i32
      %dma_wait3A_95 = arith.constant 0 : i32
      %dma_wait3A_96 = tpu.memref_slice %arg4[%dma_wait3A_94, %dma_wait3A_95] : memref<1024x100000xf32, #tpu.memory_space<any>> -> memref<8x100000xf32, #tpu.memory_space<any>>
      %dma_wait3A_97 = arith.constant 8 : i32
      %dma_wait3A_98 = arith.constant 0 : i32
      %dma_wait3A_99 = tpu.memref_slice %arg5[%dma_wait3A_89, %dma_wait3A_97, %dma_wait3A_98] : memref<2x32x100000xf32, #tpu.memory_space<vmem>> -> memref<1x8x100000xf32, #tpu.memory_space<vmem>>
      %dma_wait3A_100 = tpu.memref_squeeze %dma_wait3A_99 : memref<1x8x100000xf32, #tpu.memory_space<vmem>> -> memref<8x100000xf32, #tpu.memory_space<vmem>>
      tpu.wait_dma2 semaphore(%dma_wait3A_93 : memref<!tpu.dma_semaphore, #tpu.memory_space<semaphore_mem>>) src(%dma_wait3A_100 : memref<8x100000xf32, #tpu.memory_space<vmem>>) dst(%dma_wait3A_96 : memref<8x100000xf32, #tpu.memory_space<any>>)
      %dma_wait3A_101 = arith.constant 0 : i32
      %dma_wait3A_102 = arith.constant 0 : i32
      %dma_wait3A_103 = arith.constant 2 : i32
      %dma_wait3A_104 = tpu.memref_slice %arg6[%dma_wait3A_102, %dma_wait3A_103] : memref<2x4x!tpu.dma_semaphore, #tpu.memory_space<semaphore_mem>> -> memref<1x1x!tpu.dma_semaphore, #tpu.memory_space<semaphore_mem>>
      %dma_wait3A_105 = tpu.memref_squeeze %dma_wait3A_104 : memref<1x1x!tpu.dma_semaphore, #tpu.memory_space<semaphore_mem>> -> memref<!tpu.dma_semaphore, #tpu.memory_space<semaphore_mem>>
      %dma_wait3A_106 = arith.constant 976 : i32
      %dma_wait3A_107 = arith.constant 0 : i32
      %dma_wait3A_108 = tpu.memref_slice %arg4[%dma_wait3A_106, %dma_wait3A_107] : memref<1024x100000xf32, #tpu.memory_space<any>> -> memref<8x100000xf32, #tpu.memory_space<any>>
      %dma_wait3A_109 = arith.constant 16 : i32
      %dma_wait3A_110 = arith.constant 0 : i32
      %dma_wait3A_111 = tpu.memref_slice %arg5[%dma_wait3A_101, %dma_wait3A_109, %dma_wait3A_110] : memref<2x32x100000xf32, #tpu.memory_space<vmem>> -> memref<1x8x100000xf32, #tpu.memory_space<vmem>>
      %dma_wait3A_112 = tpu.memref_squeeze %dma_wait3A_111 : memref<1x8x100000xf32, #tpu.memory_space<vmem>> -> memref<8x100000xf32, #tpu.memory_space<vmem>>
      tpu.wait_dma2 semaphore(%dma_wait3A_105 : memref<!tpu.dma_semaphore, #tpu.memory_space<semaphore_mem>>) src(%dma_wait3A_112 : memref<8x100000xf32, #tpu.memory_space<vmem>>) dst(%dma_wait3A_108 : memref<8x100000xf32, #tpu.memory_space<any>>)
      %dma_wait3A_113 = arith.constant 0 : i32
      %dma_wait3A_114 = arith.constant 0 : i32
      %dma_wait3A_115 = arith.constant 3 : i32
      %dma_wait3A_116 = tpu.memref_slice %arg6[%dma_wait3A_114, %dma_wait3A_115] : memref<2x4x!tpu.dma_semaphore, #tpu.memory_space<semaphore_mem>> -> memref<1x1x!tpu.dma_semaphore, #tpu.memory_space<semaphore_mem>>
      %dma_wait3A_117 = tpu.memref_squeeze %dma_wait3A_116 : memref<1x1x!tpu.dma_semaphore, #tpu.memory_space<semaphore_mem>> -> memref<!tpu.dma_semaphore, #tpu.memory_space<semaphore_mem>>
      %dma_wait3A_118 = arith.constant 984 : i32
      %dma_wait3A_119 = arith.constant 0 : i32
      %dma_wait3A_120 = tpu.memref_slice %arg4[%dma_wait3A_118, %dma_wait3A_119] : memref<1024x100000xf32, #tpu.memory_space<any>> -> memref<8x100000xf32, #tpu.memory_space<any>>
      %dma_wait3A_121 = arith.constant 24 : i32
      %dma_wait3A_122 = arith.constant 0 : i32
      %dma_wait3A_123 = tpu.memref_slice %arg5[%dma_wait3A_113, %dma_wait3A_121, %dma_wait3A_122] : memref<2x32x100000xf32, #tpu.memory_space<vmem>> -> memref<1x8x100000xf32, #tpu.memory_space<vmem>>
      %dma_wait3A_124 = tpu.memref_squeeze %dma_wait3A_123 : memref<1x8x100000xf32, #tpu.memory_space<vmem>> -> memref<8x100000xf32, #tpu.memory_space<vmem>>
      tpu.wait_dma2 semaphore(%dma_wait3A_117 : memref<!tpu.dma_semaphore, #tpu.memory_space<semaphore_mem>>) src(%dma_wait3A_124 : memref<8x100000xf32, #tpu.memory_space<vmem>>) dst(%dma_wait3A_120 : memref<8x100000xf32, #tpu.memory_space<any>>)
      %dma_wait3A_125 = arith.constant 1 : i32
      %dma_wait3A_126 = arith.constant 1 : i32
      %dma_wait3A_127 = arith.constant 0 : i32
      %dma_wait3A_128 = tpu.memref_slice %arg6[%dma_wait3A_126, %dma_wait3A_127] : memref<2x4x!tpu.dma_semaphore, #tpu.memory_space<semaphore_mem>> -> memref<1x1x!tpu.dma_semaphore, #tpu.memory_space<semaphore_mem>>
      %dma_wait3A_129 = tpu.memref_squeeze %dma_wait3A_128 : memref<1x1x!tpu.dma_semaphore, #tpu.memory_space<semaphore_mem>> -> memref<!tpu.dma_semaphore, #tpu.memory_space<semaphore_mem>>
      %dma_wait3A_130 = arith.constant 992 : i32
      %dma_wait3A_131 = arith.constant 0 : i32
      %dma_wait3A_132 = tpu.memref_slice %arg4[%dma_wait3A_130, %dma_wait3A_131] : memref<1024x100000xf32, #tpu.memory_space<any>> -> memref<8x100000xf32, #tpu.memory_space<any>>
      %dma_wait3A_133 = arith.constant 0 : i32
      %dma_wait3A_134 = arith.constant 0 : i32
      %dma_wait3A_135 = tpu.memref_slice %arg5[%dma_wait3A_125, %dma_wait3A_133, %dma_wait3A_134] : memref<2x32x100000xf32, #tpu.memory_space<vmem>> -> memref<1x8x100000xf32, #tpu.memory_space<vmem>>
      %dma_wait3A_136 = tpu.memref_squeeze %dma_wait3A_135 : memref<1x8x100000xf32, #tpu.memory_space<vmem>> -> memref<8x100000xf32, #tpu.memory_space<vmem>>
      tpu.wait_dma2 semaphore(%dma_wait3A_129 : memref<!tpu.dma_semaphore, #tpu.memory_space<semaphore_mem>>) src(%dma_wait3A_136 : memref<8x100000xf32, #tpu.memory_space<vmem>>) dst(%dma_wait3A_132 : memref<8x100000xf32, #tpu.memory_space<any>>)
      %dma_wait3A_137 = arith.constant 1 : i32
      %dma_wait3A_138 = arith.constant 1 : i32
      %dma_wait3A_139 = arith.constant 1 : i32
      %dma_wait3A_140 = tpu.memref_slice %arg6[%dma_wait3A_138, %dma_wait3A_139] : memref<2x4x!tpu.dma_semaphore, #tpu.memory_space<semaphore_mem>> -> memref<1x1x!tpu.dma_semaphore, #tpu.memory_space<semaphore_mem>>
      %dma_wait3A_141 = tpu.memref_squeeze %dma_wait3A_140 : memref<1x1x!tpu.dma_semaphore, #tpu.memory_space<semaphore_mem>> -> memref<!tpu.dma_semaphore, #tpu.memory_space<semaphore_mem>>
      %dma_wait3A_142 = arith.constant 1000 : i32
      %dma_wait3A_143 = arith.constant 0 : i32
      %dma_wait3A_144 = tpu.memref_slice %arg4[%dma_wait3A_142, %dma_wait3A_143] : memref<1024x100000xf32, #tpu.memory_space<any>> -> memref<8x100000xf32, #tpu.memory_space<any>>
      %dma_wait3A_145 = arith.constant 8 : i32
      %dma_wait3A_146 = arith.constant 0 : i32
      %dma_wait3A_147 = tpu.memref_slice %arg5[%dma_wait3A_137, %dma_wait3A_145, %dma_wait3A_146] : memref<2x32x100000xf32, #tpu.memory_space<vmem>> -> memref<1x8x100000xf32, #tpu.memory_space<vmem>>
      %dma_wait3A_148 = tpu.memref_squeeze %dma_wait3A_147 : memref<1x8x100000xf32, #tpu.memory_space<vmem>> -> memref<8x100000xf32, #tpu.memory_space<vmem>>
      tpu.wait_dma2 semaphore(%dma_wait3A_141 : memref<!tpu.dma_semaphore, #tpu.memory_space<semaphore_mem>>) src(%dma_wait3A_148 : memref<8x100000xf32, #tpu.memory_space<vmem>>) dst(%dma_wait3A_144 : memref<8x100000xf32, #tpu.memory_space<any>>)
      %dma_wait3A_149 = arith.constant 1 : i32
      %dma_wait3A_150 = arith.constant 1 : i32
      %dma_wait3A_151 = arith.constant 2 : i32
      %dma_wait3A_152 = tpu.memref_slice %arg6[%dma_wait3A_150, %dma_wait3A_151] : memref<2x4x!tpu.dma_semaphore, #tpu.memory_space<semaphore_mem>> -> memref<1x1x!tpu.dma_semaphore, #tpu.memory_space<semaphore_mem>>
      %dma_wait3A_153 = tpu.memref_squeeze %dma_wait3A_152 : memref<1x1x!tpu.dma_semaphore, #tpu.memory_space<semaphore_mem>> -> memref<!tpu.dma_semaphore, #tpu.memory_space<semaphore_mem>>
      %dma_wait3A_154 = arith.constant 1008 : i32
      %dma_wait3A_155 = arith.constant 0 : i32
      %dma_wait3A_156 = tpu.memref_slice %arg4[%dma_wait3A_154, %dma_wait3A_155] : memref<1024x100000xf32, #tpu.memory_space<any>> -> memref<8x100000xf32, #tpu.memory_space<any>>
      %dma_wait3A_157 = arith.constant 16 : i32
      %dma_wait3A_158 = arith.constant 0 : i32
      %dma_wait3A_159 = tpu.memref_slice %arg5[%dma_wait3A_149, %dma_wait3A_157, %dma_wait3A_158] : memref<2x32x100000xf32, #tpu.memory_space<vmem>> -> memref<1x8x100000xf32, #tpu.memory_space<vmem>>
      %dma_wait3A_160 = tpu.memref_squeeze %dma_wait3A_159 : memref<1x8x100000xf32, #tpu.memory_space<vmem>> -> memref<8x100000xf32, #tpu.memory_space<vmem>>
      tpu.wait_dma2 semaphore(%dma_wait3A_153 : memref<!tpu.dma_semaphore, #tpu.memory_space<semaphore_mem>>) src(%dma_wait3A_160 : memref<8x100000xf32, #tpu.memory_space<vmem>>) dst(%dma_wait3A_156 : memref<8x100000xf32, #tpu.memory_space<any>>)
      %dma_wait3A_161 = arith.constant 1 : i32
      %dma_wait3A_162 = arith.constant 1 : i32
      %dma_wait3A_163 = arith.constant 3 : i32
      %dma_wait3A_164 = tpu.memref_slice %arg6[%dma_wait3A_162, %dma_wait3A_163] : memref<2x4x!tpu.dma_semaphore, #tpu.memory_space<semaphore_mem>> -> memref<1x1x!tpu.dma_semaphore, #tpu.memory_space<semaphore_mem>>
      %dma_wait3A_165 = tpu.memref_squeeze %dma_wait3A_164 : memref<1x1x!tpu.dma_semaphore, #tpu.memory_space<semaphore_mem>> -> memref<!tpu.dma_semaphore, #tpu.memory_space<semaphore_mem>>
      %dma_wait3A_166 = arith.constant 1016 : i32
      %dma_wait3A_167 = arith.constant 0 : i32
      %dma_wait3A_168 = tpu.memref_slice %arg4[%dma_wait3A_166, %dma_wait3A_167] : memref<1024x100000xf32, #tpu.memory_space<any>> -> memref<8x100000xf32, #tpu.memory_space<any>>
      %dma_wait3A_169 = arith.constant 24 : i32
      %dma_wait3A_170 = arith.constant 0 : i32
      %dma_wait3A_171 = tpu.memref_slice %arg5[%dma_wait3A_161, %dma_wait3A_169, %dma_wait3A_170] : memref<2x32x100000xf32, #tpu.memory_space<vmem>> -> memref<1x8x100000xf32, #tpu.memory_space<vmem>>
      %dma_wait3A_172 = tpu.memref_squeeze %dma_wait3A_171 : memref<1x8x100000xf32, #tpu.memory_space<vmem>> -> memref<8x100000xf32, #tpu.memory_space<vmem>>
      tpu.wait_dma2 semaphore(%dma_wait3A_165 : memref<!tpu.dma_semaphore, #tpu.memory_space<semaphore_mem>>) src(%dma_wait3A_172 : memref<8x100000xf32, #tpu.memory_space<vmem>>) dst(%dma_wait3A_168 : memref<8x100000xf32, #tpu.memory_space<any>>)
    } else {
    }
    return
  }
  func.func @transform_0(%arg0: i32) -> (i32, i32) {
    %c0_i32 = arith.constant 0 : i32
    %c0_i32_0 = arith.constant 0 : i32
    return %arg0, %c0_i32 : i32, i32
  }
  func.func @transform_1(%arg0: i32) -> (i32, i32) {
    %c0_i32 = arith.constant 0 : i32
    %c0_i32_0 = arith.constant 0 : i32
    return %arg0, %c0_i32 : i32, i32
  }
  func.func @transform_2(%arg0: i32) -> (i32, i32) {
    %c0_i32 = arith.constant 0 : i32
    %c0_i32_0 = arith.constant 0 : i32
    %c0_i32_1 = arith.constant 0 : i32
    return %c0_i32, %c0_i32_0 : i32, i32
  }
}

</mosaic_0001>

<sc_bundles>
// kernel: kernel.4.cloned.1.call-start
scs
__scs_entry_jumppad:
0x0: {  	(pc) =	sbr.rel $0x88, $3  }
0x1: {  	(tag) =	ssettag $0x0;
	lr =	simm.s32 $0x1  }
0x2: {  	[smem:$0x3F9E] =	sst lr;
	_ =	strace $0xD0000000  }
0x3: {  	_ = 	snop  }
0x4: {  	_ = 	snop  }
0x5: {  	_ = 	snop  }
0x6: {  	_ = 	snop  }
0x7: {  	_ = 	snop  }
__scs_overlays_trampoline_lowered:
0x8: {  	[smem:$0x3FAD] =	sst s0  }
0x9: {  	[smem:$0x3FAE] =	sst s1  }
0xa: {  	[smem:$0x3FAF] =	sst s2  }
0xb: {  	[smem:$0x3FB0] =	sst s3  }
0xc: {  	[smem:$0x3FB1] =	sst s4  }
0xd: {  	[smem:$0x3FB2] =	sst s5  }
0xe: {  	[smem:$0x3FB3] =	sst s6  }
0xf: {  	[smem:$0x3FB4] =	sst s7  }
0x10: {  	[smem:$0x3FB5] =	sst s8  }
0x11: {  	[smem:$0x3FB6] =	sst s9;
	s0 =	simm.s32 @!p0 $0x0  }
0x12: {  	s1 =	sld [smem:$0x3F9C];
	s0 =	simm.s32 @p0 $0x1  }
0x13: {  	[smem:$0x3FB7] =	sst s0;
	s0 =	simm.s32 @!p1 $0x0  }
0x14: {  	s2 =	sld [smem:$0x3F9B];
	s0 =	simm.s32 @p1 $0x1  }
0x15: {  	[smem:$0x3FB8] =	sst s0;
	s0 =	simm.s32 @!p2 $0x0  }
0x16: {  	s3 =	sld [smem:$0x3FDB];
	s0 =	simm.s32 @p2 $0x1  }
0x17: {  	s4 =	simm.s32 $0x1BF5;
	[smem:$0x3FBA] =	sst s0  }
0x18: {  	s0 =	sld [smem:$0x3F9D];
	_ =	swait.ge [sflag:s4], $0x0  }
0x19: {  	s7 =	sld [smem:$0x3F9E]  }
0x1a: {  	s8 =	sadd.s32 $0xFFFFE003, lr  }
0x1b: {  	s9 =	sadd.s32 $0xFFFFFEF7, lr;
	s5 =	simm.s32 $0xFFFFFFFF;
	p2 =	slt.u32 s8, $0xFFFFF086  }
0x1c: {  	p1 =	slt.u32 s9, $0xF7A;
	s5 =	simm.s32 @!p2 $0x0  }
0x1d: {  	s5 =	simm.s32 @p1 $0x1;
	p0 =	seq.s32 s7, s2  }
0x1e: {  	s7 =	smul.u32 @!p0 $0xF7A, s2;
	p2 =	seq.s32 @!p0 s5, $0x0  }
0x1f: {  	s9 =	smul.u32 $0xF7A, s1;
	s8 =	simm.s32 @!p0 $0x1BF5;
	p2 =	por !p2, p0  }
0x20: {  	[sflag:s8] =	ssyncset.s32 @!p0 $0xFFFFF086;
	s6 =	sadd.s32 @!p0 s3, s7;
	s7 =	simm.s32 @!p0 $0x108  }
0x21: {  	s3 =	sadd.s32 s3, s9;
	s6 =	sadd.s32 @!p0 $0x88, s6;
	s7 =	simm.s32 @p2 $0x1082  }
0x22: {  	[simem:s7], [sflag:s8] =	dma.local @!p0 [hbm:s6], $0xF7A  }
0x23: {  	s9 =	sor.u32 $0xD0000000, s2;
	s6 =	simm.s32 $0x108;
	_ =	swait.ge @!p0 [sflag:s8], $0x0  }
0x24: {  	s3 =	sadd.s32 $0x88, s3;
	s6 =	simm.s32 @!p1 $0x1082;
	[sflag:s4] =	ssyncset.s32 $0xFFFFF086  }
0x25: {  	[simem:s6], [sflag:s4] =	dma.local [hbm:s3], $0xF7A  }
0x26: {  	[smem:$0x3F9E] =	sst s1;
	(tag) =	ssettag s2;
	_ =	strace s9  }
0x27: {  	s1 =	sld [smem:$0x3FAE]  }
0x28: {  	s2 =	sld [smem:$0x3FAF]  }
0x29: {  	s4 =	sld [smem:$0x3FB1]  }
0x2a: {  	p0 =	seq.s32 s5, $0x0;
	s5 =	sld [smem:$0x3FB2]  }
0x2b: {  	s6 =	sld [smem:$0x3FB3]  }
0x2c: {  	s7 =	sld [smem:$0x3FB4]  }
0x2d: {  	s3 =	simm.s32 $0x108;
	s8 =	sld [smem:$0x3FB5]  }
0x2e: {  	s3 =	simm.s32 @!p0 $0x1082;
	s9 =	sld [smem:$0x3FB6]  }
0x2f: {  	lr =	sadd.s32 s0, s3;
	s0 =	sld [smem:$0x3FAD]  }
0x30: {  	s3 =	sld [smem:$0x3FB0]  }
0x31: {  	[smem:$0x3FB9] =	sst s10  }
0x32: {  	s10 =	sld [smem:$0x3FB7];
	_ =	sdelay $0x3  }
0x33: {  	p0 =	seq.s32 s10, $0x1;
	s10 =	sld [smem:$0x3FB9];
	_ =	sdelay $0x3  }
0x34: {  	[smem:$0x3FB9] =	sst s10  }
0x35: {  	s10 =	sld [smem:$0x3FB8];
	_ =	sdelay $0x3  }
0x36: {  	p1 =	seq.s32 s10, $0x1;
	s10 =	sld [smem:$0x3FB9];
	_ =	sdelay $0x3  }
0x37: {  	[smem:$0x3FB9] =	sst s10  }
0x38: {  	s10 =	sld [smem:$0x3FBA]  }
0x39: {  	_ = 	snop;
	(pc) =	sbr.ind lr, $3  }
0x3a: {  	_ = 	snop  }
0x3b: {  	_ = 	snop  }
0x3c: {  	p2 =	seq.s32 s10, $0x1;
	s10 =	sld [smem:$0x3FB9]  }
0x3d: {  	_ =	shalt  }
0x3e: {  	_ =	shalt  }
0x3f: {  	_ =	shalt  }
0x40: {  	_ =	shalt  }
0x41: {  	_ =	shalt  }
0x42: {  	_ =	shalt  }
0x43: {  	_ =	shalt  }
0x44: {  	_ =	shalt  }
0x45: {  	_ =	shalt  }
0x46: {  	_ =	shalt  }
0x47: {  	_ =	shalt  }
0x48: {  	_ =	shalt  }
0x49: {  	_ =	shalt  }
0x4a: {  	_ =	shalt  }
0x4b: {  	_ =	shalt  }
0x4c: {  	_ =	shalt  }
0x4d: {  	_ =	shalt  }
0x4e: {  	_ =	shalt  }
0x4f: {  	_ =	shalt  }
0x50: {  	_ =	shalt  }
0x51: {  	_ =	shalt  }
0x52: {  	_ =	shalt  }
0x53: {  	_ =	shalt  }
0x54: {  	_ =	shalt  }
0x55: {  	_ =	shalt  }
0x56: {  	_ =	shalt  }
0x57: {  	_ =	shalt  }
0x58: {  	_ =	shalt  }
0x59: {  	_ =	shalt  }
0x5a: {  	_ =	shalt  }
0x5b: {  	_ =	shalt  }
0x5c: {  	_ =	shalt  }
0x5d: {  	_ =	shalt  }
0x5e: {  	_ =	shalt  }
0x5f: {  	_ =	shalt  }
0x60: {  	_ =	shalt  }
0x61: {  	_ =	shalt  }
0x62: {  	_ =	shalt  }
0x63: {  	_ =	shalt  }
0x64: {  	_ =	shalt  }
0x65: {  	_ =	shalt  }
0x66: {  	_ =	shalt  }
0x67: {  	_ =	shalt  }
0x68: {  	_ =	shalt  }
0x69: {  	_ =	shalt  }
0x6a: {  	_ =	shalt  }
0x6b: {  	_ =	shalt  }
0x6c: {  	_ =	shalt  }
0x6d: {  	_ =	shalt  }
0x6e: {  	_ =	shalt  }
0x6f: {  	_ =	shalt  }
0x70: {  	_ =	shalt  }
0x71: {  	_ =	shalt  }
0x72: {  	_ =	shalt  }
0x73: {  	_ =	shalt  }
0x74: {  	_ =	shalt  }
0x75: {  	_ =	shalt  }
0x76: {  	_ =	shalt  }
0x77: {  	_ =	shalt  }
0x78: {  	_ =	shalt  }
0x79: {  	_ =	shalt  }
0x7a: {  	_ =	shalt  }
0x7b: {  	_ =	shalt  }
0x7c: {  	_ =	shalt  }
0x7d: {  	_ =	shalt  }
0x7e: {  	_ =	shalt  }
0x7f: {  	_ =	shalt  }
0x80: {  	_ =	shalt  }
0x81: {  	_ =	shalt  }
0x82: {  	_ =	shalt  }
0x83: {  	_ =	shalt  }
0x84: {  	_ =	shalt  }
0x85: {  	_ =	shalt  }
0x86: {  	_ =	shalt  }
0x87: {  	_ =	shalt  }
.Lfunc_end0:
.L_simem_size_0:
called_computation_lowered:
.L_overlay_start_0:
0x88: {  	s2 =	sld [smem:$0x3FD9]  }
0x89: {  	s3 =	sld [smem:$0x3FFE];
	_ =	sdelay $0x1  }
0x8a: {  	s1 =	srdreg.scid  }
0x8b: {  	s0 =	sand.u32 $0x1, s1  }
0x8c: {  	s17 =	sshll.u32 s0, $0xA;
	s2 =	sadd.s32 s3, s2  }
0x8d: {  	s2 =	sadd.s32 s2, s17  }
0x8e: {  	[smem:$0x3FC5] =	sst s2  }
0x8f: {  	_ = 	snop  }
0x90: {  	s2 =	sld [smem:$0x3FD0];
	(tm) =	ssettm $0x1  }
0x91: {  	s18 =	sld [smem:$0x3FFB];
	_ =	sdelay $0x3  }
0x92: {  	_ =	strace s18  }
0x93: {  	s3 =	sld [smem:$0x3FFC];
	_ =	sdelay $0x3  }
0x94: {  	_ =	strace s3  }
0x95: {  	s3 =	sld [smem:$0x3FFD];
	_ =	sdelay $0x3  }
0x96: {  	_ =	strace s3  }
0x97: {  	_ =	strace $0x8FFFFFFF  }
0x98: {  	s19 =	sld [smem:$0x3FDB];
	_ =	sdelay $0x1  }
0x99: {  	s4 =	simm.s32 $_scs_section_size  }
0x9a: {  	s5 =	simm.s32 $_size__tile_overlayer_lowered;
	s6 =	simm.s32 $_tile_overlayer_lowered  }
0x9b: {  	s22 =	simm.s32 $0x1BFF;
	s21 =	sshll.u32 s6, $0x1;
	s3 =	sadd.s32 s4, s19  }
0x9c: {  	s7 =	simm.s32 $0x0;
	s20 =	sshll.u32 s5, $0x1;
	s5 =	sadd.s32 s21, s3  }
0x9d: {  	[timem:s7], [sflag:s22] =	dma.local [hbm:s5], s20  }
0x9e: {  	_ =	swait.ge [sflag:s22], s20  }
0x9f: {  	s4 =	ssub.s32 $0x0, s20;
	[sflag:s22] =	ssyncset.done $0x0  }
0xa0: {  	[sflag:s22] =	ssyncadd.s32 s4;
	_ =	sdelay $0x1  }
0xa1: {  	s23 =	simm.s32 $0x1B8B  }
0xa2: {  	_ =	swait.ge [sflag:s23], $0x1  }
0xa3: {  	[sflag:s23] =	ssyncset.done $0x0  }
0xa4: {  	s25 =	simm.s32 $0x1B8E;
	s24 =	sld [smem:$0x3FFE];
	[sflag:s23] =	ssyncadd.s32 $0xFFFFFFFF  }
0xa5: {  	s26 =	simm.s32 $execute0_lowered;
	[smem:$0x3FD2] =	sst s25  }
0xa6: {  	s5 =	sshll.u32 s26, $0x1;
	_ =	strace $0x80000046;
	[dreg:$0x1] =	wrdreg $0xFFFFFFFF  }
0xa7: {  	s28 =	simm.s32 $_size_execute0_lowered;
	s3 =	sadd.s32 s3, s5;
	[dreg:$0x0] =	wrdreg $0x0  }
0xa8: {  	s5 =	sshll.u32 s28, $0x1;
	[dreg:$0x2] =	wrdreg s3  }
0xa9: {  	[dreg:$0x3] =	wrdreg s5  }
0xaa: {  	[dreg:$0x4] =	wrdreg $0xC0  }
0xab: {  	_ =	task [dreg:s7], $0x5FFFF  }
0xac: {  	[dreg:$0x1] =	wrdreg $0xFFFFFFFF  }
0xad: {  	[dreg:$0x0] =	wrdreg $0x60  }
0xae: {  	[dreg:$0x2] =	wrdreg s24  }
0xaf: {  	[dreg:$0x3] =	wrdreg s2  }
0xb0: {  	[dreg:$0x4] =	wrdreg $0x9  }
0xb1: {  	_ =	task.clear_ibuf [dreg:s7], $0x5FFFF;
	_ =	strace $0x90000046  }
0xb2: {  	s29 =	simm.s32 $0x9;
	_ =	strace $0x80000048  }
0xb3: {  	_ =	swait.ge [sflag:s29], $0x1  }
0xb4: {  	[sflag:s29] =	ssyncadd.s32 $0xFFFFFFFF  }
0xb5: {  	_ =	strace $0x90000048  }
0xb6: {  	_ =	sfence  }
0xb7: {  	s30 =	sld [smem:$0x0];
	_ =	sdelay $0x2  }
0xb8: {  	s31 =	sshll.u32 s1, $0xD;
	s1 =	sshrl.u32 s1, $0x2  }
0xb9: {  	s3 =	sand.u32 $0x4000, s31;
	s1 =	sadd.s32 s1, s30  }
0xba: {  	s0 =	sor.u32 s3, s0;
	s1 =	sshll.u32 s1, $0x11  }
0xbb: {  	s0 =	sor.u32 s1, s0  }
0xbc: {  	s0 =	sadd.s32 $0x8F2B, s0  }
0xbd: {  	[sflag:s0] =	ssyncadd.remote.s32 $0x1  }
0xbe: {  	_ =	sfence.sel $0xFFFF  }
0xbf: {  	[dreg:$0x0] =	wrdreg $0xFFFFFFFF;
	(pc) =	sbr.abs _section_cstart, $3  }
0xc0: {  	[dreg:$0x1] =	wrdreg $0xFFFFFFFF  }
0xc1: {  	_ =	task.clear_ibuf [dreg:s7], $0x2FFFF;
	_ =	strace $0x9FFFFFFF  }
0xc2: {  	(tm) =	ssettm $0x7FFFFFFF  }
0xc3: {  	_ =	shalt  }
tec
execute0_lowered:
.L_overlay_start_1:
0x0: {  	(tag) =	ssettag $0x1  }
0x1: {  	s1 =	srdreg.scid  }
0x2: {  	s0 =	stileid.u32;
	s12 =	sand.u32 $0x1, s1  }
0x3: {  	s13 =	rddreg [dreg:$0x0];
	s30 =	sshll.u32 s0, $0x6;
	s2 =	sshll.u32 s12, $0x5  }
0x4: {  	s14 =	rddreg [dreg:$0x1];
	s15 =	sor.u32 s2, s30  }
0x5: {  	s1 =	rddreg [dreg:$0x2];
	s2 =	simm.s32 $0x0;
	s3 =	sshrl.u32 s15, $0x3  }
0x6: {  	[smem:$0x7FF] =	sst s2;
	s5 =	sadd.s32 s3, s13  }
0x7: {  	_ =	strace $0x80000047;
	s3 =	simm.s32 $0x2;
	s4 =	sadd.s32 $0x1000, s5  }
0x8: {  	[tilespmem:s2], [sflag:$0x2] =	stream.linear.gather [hbm4b:s4+s2], $0x20, $0x38;
	[tilespmem:$0x440] =	vst v63  }
0x9: {  	_ =	swait.ge [sflag:s3], $0x20  }
0xa: {  	[sflag:s3] =	ssyncset.done $0x0  }
0xb: {  	s6 =	simm.s32 $0x20;
	s5 =	sadd.s32 $0x1080, s5;
	[sflag:s3] =	ssyncadd.s32 $0xFFFFFFE0  }
0xc: {  	[tilespmem:s6], [sflag:$0x2] =	stream.linear.gather [hbm4b:s5+s2], $0x20, $0x38;
	[tilespmem:$0x440] =	vst v63  }
0xd: {  	_ =	swait.ge [sflag:s3], $0x20  }
0xe: {  	s8 =	simm.s32 $0x40;
	[sflag:s3] =	ssyncset.done $0x0  }
0xf: {  	s9 =	simm.s32 $0x1;
	s7 =	sadd.s32 $0x1A00, s13;
	[sflag:s3] =	ssyncadd.s32 $0xFFFFFFE0  }
0x10: {  	[tilespmem:s8], [sflag:$0x1] =	stream.indirect.gather [hbm4b:s7+s6], $0x10, s2, s6, $0xb8;
	[tilespmem:$0x440] =	vst v63  }
0x11: {  	_ =	swait.ge [sflag:s9], $0x200  }
0x12: {  	s11 =	simm.s32 $0x240;
	[sflag:s9] =	ssyncset.done $0x0  }
0x13: {  	s10 =	sadd.s32 $0x1200, s13;
	s16 =	ssub.s32 $0x2, s12;
	[sflag:s9] =	ssyncadd.s32 $0xFFFFFE00  }
0x14: {  	[tilespmem:s11], [sflag:$0x1] =	stream.indirect.gather [hbm4b:s10+s6], $0x10, s6, s6, $0xb8;
	[tilespmem:$0x440] =	vst v63  }
0x15: {  	s31 =	sshrl.u32 s16, $0x1;
	s15 =	sshll.u32 s15, $0x1;
	_ =	swait.ge [sflag:s9], $0x200  }
0x16: {  	s12 =	sadd.s32 s14, s15;
	s14 =	ssub.s32 s16, s31;
	[sflag:s9] =	ssyncset.done $0x0  }
0x17: {  	s14 =	smax.u32 s14, $0x1;
	[sflag:s9] =	ssyncadd.s32 $0xFFFFFE00  }
0x18: {  	[hbm4b:s12+s2] =	stream.linear.scatter [tilespmem:s8], [sflag:$0x2], $0x200, $0x38;
	[tilespmem:$0x440] =	vst v63  }
0x19: {  	p0 =	sne.s32 s14, $0x1;
	_ =	swait.ge [sflag:s3], $0x200  }
.Ltmp0:
0x1a: {  	s13 =	sadd.s32 s15, s13;
	[sflag:s3] =	ssyncset.done $0x0;
	(pc) =	sbr.rel @!p0 .LBB2_2-.Ltmp0, $4  }
0x1b: {  	s13 =	sadd.s32 $0x32800, s13;
	[sflag:s3] =	ssyncadd.s32 $0xFFFFFE00  }
0x1c: {  	[hbm4b:s13+s2] =	stream.linear.scatter [tilespmem:s11], [sflag:$0x2], $0x200, $0x38;
	[tilespmem:$0x440] =	vst v63  }
0x1d: {  	_ =	swait.ge [sflag:s3], $0x200  }
0x1e: {  	s14 =	sadd.s32 $0xFFFFFFFF, s14;
	[sflag:s3] =	ssyncset.done $0x0  }
.LBB2_1:
0x1f: {  	p0 =	sne.s32 s14, $0x1;
	s14 =	sadd.s32 $0xFFFFFFFF, s14;
	[sflag:s3] =	ssyncadd.s32 $0xFFFFFE00  }
0x20: {  	[tilespmem:s2], [sflag:$0x2] =	stream.linear.gather [hbm4b:s4+s2], $0x20, $0x38;
	[tilespmem:$0x440] =	vst v63  }
0x21: {  	_ =	swait.ge [sflag:s3], $0x20  }
0x22: {  	[sflag:s3] =	ssyncset.done $0x0  }
0x23: {  	[sflag:s3] =	ssyncadd.s32 $0xFFFFFFE0  }
0x24: {  	[tilespmem:s6], [sflag:$0x2] =	stream.linear.gather [hbm4b:s5+s2], $0x20, $0x38;
	[tilespmem:$0x440] =	vst v63  }
0x25: {  	_ =	swait.ge [sflag:s3], $0x20  }
0x26: {  	[sflag:s3] =	ssyncset.done $0x0  }
0x27: {  	[sflag:s3] =	ssyncadd.s32 $0xFFFFFFE0  }
0x28: {  	[tilespmem:s8], [sflag:$0x1] =	stream.indirect.gather [hbm4b:s7+s6], $0x10, s2, s6, $0xb8;
	[tilespmem:$0x440] =	vst v63  }
0x29: {  	_ =	swait.ge [sflag:s9], $0x200  }
0x2a: {  	[sflag:s9] =	ssyncset.done $0x0  }
0x2b: {  	[sflag:s9] =	ssyncadd.s32 $0xFFFFFE00  }
0x2c: {  	[tilespmem:s11], [sflag:$0x1] =	stream.indirect.gather [hbm4b:s10+s6], $0x10, s6, s6, $0xb8;
	[tilespmem:$0x440] =	vst v63  }
0x2d: {  	_ =	swait.ge [sflag:s9], $0x200  }
0x2e: {  	[sflag:s9] =	ssyncset.done $0x0  }
0x2f: {  	[sflag:s9] =	ssyncadd.s32 $0xFFFFFE00  }
0x30: {  	[hbm4b:s12+s2] =	stream.linear.scatter [tilespmem:s8], [sflag:$0x2], $0x200, $0x38;
	[tilespmem:$0x440] =	vst v63  }
0x31: {  	_ =	swait.ge [sflag:s3], $0x200  }
.Ltmp1:
0x32: {  	[sflag:s3] =	ssyncset.done $0x0;
	(pc) =	sbr.rel @p0 .LBB2_1-.Ltmp1, $4  }
0x33: {  	[sflag:s3] =	ssyncadd.s32 $0xFFFFFE00  }
0x34: {  	[hbm4b:s13+s2] =	stream.linear.scatter [tilespmem:s11], [sflag:$0x2], $0x200, $0x38;
	[tilespmem:$0x440] =	vst v63  }
0x35: {  	_ =	swait.ge [sflag:s3], $0x200  }
0x36: {  	[sflag:s3] =	ssyncset.done $0x0  }
.LBB2_2:
0x37: {  	[sflag:s3] =	ssyncadd.s32 $0xFFFFFE00  }
0x38: {  	_ =	sfence.sel $0x180000  }
0x39: {  	[bflag:$0x0] =	sbarrier.arrive $0xFFFF  }
0x3a: {  	p0 =	sne.s32 s0, $0x0;
	_ =	strace $0x90000047  }
0x3b: {  	s0 =	sadd.s32 @!p0 $0x100000, s1;
	[bflag:$0x2] =	sbarrier.arrive $0xFFFF  }
0x3c: {  	[sflag:s0] =	ssyncadd.tile.s32 @!p0 $0x1;
	_ =	shalt  }
.Lfunc_end2:
_tile_overlayer_lowered:
.L_overlay_start_2:
0x3d: {  	(tag) =	ssettag $0x2  }
0x3e: {  	s0 =	rddreg [dreg:$0x0];
	s2 =	stileid.u32  }
0x3f: {  	s1 =	rddreg [dreg:$0x1];
	p0 =	sne.s32 s2, $0x0  }
0x40: {  	s3 =	rddreg [dreg:$0x2];
	[bflag:$0x3] =	sbarrier.arrive $0xFFFF;
	s2 =	simm.s32 @!p0 $0x1C02  }
0x41: {  	[timem:s3], [sflag:s2] =	dma.local @!p0 [hbm:s0], s1  }
0x42: {  	s0 =	simm.s32 @!p0 $0x2  }
0x43: {  	_ =	swait.ge @!p0 [sflag:s0], s1  }
0x44: {  	s1 =	ssub.s32 @!p0 $0x0, s1;
	[sflag:s0] =	ssyncset.done @!p0 $0x0  }
0x45: {  	[sflag:s0] =	ssyncadd.s32 @!p0 s1  }
0x46: {  	[bflag:$0x3] =	sbarrier.arrive $0xFFFF  }
0x47: {  	_ =	shalt  }

</sc_bundles>
